<compile_context>
chip_gen: v7x
topology: tpu7x:2x2x1
jax: 0.10.2.dev20260603
libtpu: 0.0.44.dev20260713+nightly
codegen_flags: <defaults>
</compile_context>

<pallas_src>
import functools

import jax
import jax.numpy as jnp
from jax import lax
from jax.experimental import pallas as pl
from jax.experimental.pallas import tpu as pltpu
from jax.experimental.pallas import tpu_sc as plsc

N_NODES = 10000
D = 128
HD = 64

NC = 2
NS = 16
NW = NC * NS
CHUNK = 128
NCH = 160
EPW = NCH * CHUNK
E_PAD = NS * EPW
N_PAD = 10240
ROWS_PER_TILE = N_PAD // NS
DUMMY_DST = N_NODES + 64
NB = 4

BM = 1280
GRID = N_PAD // BM
BMF = 1000



def _deg_kernel(idx_hbm, deg_out, dst_v, deg_v):
    cid = lax.axis_index("c")
    sid = lax.axis_index("s")
    wid = sid * NC + cid
    pltpu.sync_copy(idx_hbm.at[1, sid, pl.ds(cid * (NCH // NC), NCH // NC)],
                    dst_v)
    zeros = jnp.zeros((16,), jnp.float32)

    @pl.loop(0, N_PAD // 16)
    def _(r):
        deg_v[pl.ds(r * 16, 16)] = zeros

    ones = jnp.ones((16,), jnp.float32)

    @pl.loop(0, NCH // NC)
    def _(c):
        for g in range(CHUNK // 16):
            idx = dst_v[c, pl.ds(g * 16, 16)]
            plsc.addupdate_scatter(deg_v, [idx], ones)

    pltpu.sync_copy(deg_v, deg_out.at[wid])


@jax.jit
def _deg_call(idx):
    mesh = plsc.VectorSubcoreMesh(core_axis_name="c", subcore_axis_name="s")
    return pl.kernel(
        _deg_kernel,
        out_type=jax.ShapeDtypeStruct((NW, N_PAD), jnp.float32),
        mesh=mesh,
        scratch_types=[
            pltpu.VMEM((NCH // NC, CHUNK), jnp.int32),
            pltpu.VMEM((N_PAD,), jnp.float32),
        ],
        compiler_params=pltpu.CompilerParams(needs_layout_passes=False,
                                             use_tc_tiling_on_sc=False),
    )(idx)


def _edge_kernel(ylo_hbm, yhi_hbm, idx_hbm, p_out,
                 src_v, dst_v, buf, acc, gsem, ssem):
    cid = lax.axis_index("c")
    sid = lax.axis_index("s")
    pltpu.sync_copy(idx_hbm.at[0, sid], src_v)
    pltpu.sync_copy(idx_hbm.at[1, sid], dst_v)
    r0 = sid * ROWS_PER_TILE
    zeros = jnp.zeros((16,), jnp.float32)

    @pl.loop(0, CHUNK)
    def _(r):
        for g in range(HD // 16):
            buf[0, r, pl.ds(g * 16, 16)] = zeros

    for k in range(ROWS_PER_TILE // CHUNK):
        pltpu.sync_copy(buf.at[0], acc.at[pl.ds(r0 + k * CHUNK, CHUNK)])
    plsc.subcore_barrier()

    def phase(y_hbm, col0):
        def g_start(c, b):
            pltpu.async_copy(y_hbm.at[src_v.at[c]], buf.at[b], gsem.at[b])

        def g_wait(c, b):
            pltpu.make_async_copy(y_hbm.at[src_v.at[c]], buf.at[b],
                                  gsem.at[b]).wait()

        def s_start(c, b):
            pltpu.async_copy(buf.at[b], acc.at[dst_v.at[c]], ssem.at[b],
                             add=True)

        def s_wait(c, b):
            pltpu.make_async_copy(buf.at[b], acc.at[dst_v.at[c]],
                                  ssem.at[b]).wait()

        for b in range(NB):
            g_start(b, b)

        @pl.loop(0, NCH - NB, step=NB)
        def _(j):
            for b in range(NB):
                c = j + b
                g_wait(c, b)
                s_start(c, b)
                s_wait(c, b)
                g_start(c + NB, b)

        for b in range(NB):
            c = NCH - NB + b
            g_wait(c, b)
            s_start(c, b)
            s_wait(c, b)

        plsc.subcore_barrier()
        pltpu.sync_copy(
            acc.at[pl.ds(r0, ROWS_PER_TILE)],
            p_out.at[pl.ds(r0, ROWS_PER_TILE), pl.ds(col0, HD)])

    @pl.when(cid == 0)
    def _():
        phase(ylo_hbm, 0)

    @pl.when(cid == 1)
    def _():
        phase(yhi_hbm, HD)


@jax.jit
def _edge_call(ylo, yhi, idx):
    mesh = plsc.VectorSubcoreMesh(core_axis_name="c", subcore_axis_name="s")
    return pl.kernel(
        _edge_kernel,
        out_type=jax.ShapeDtypeStruct((N_PAD, D), jnp.float32),
        mesh=mesh,
        scratch_types=[
            pltpu.VMEM((NCH, CHUNK), jnp.int32),
            pltpu.VMEM((NCH, CHUNK), jnp.int32),
            pltpu.VMEM((NB, CHUNK, HD), jnp.float32),
            pltpu.VMEM_SHARED((N_PAD, HD), jnp.float32),
            pltpu.SemaphoreType.DMA((NB,)),
            pltpu.SemaphoreType.DMA((NB,)),
        ],
        compiler_params=pltpu.CompilerParams(needs_layout_passes=False,
                                             use_tc_tiling_on_sc=False),
    )(ylo, yhi, idx)



def _pre_kernel(x_ref, w_ref, degp_ref, xw_ref, dis_ref, ylo_ref, yhi_ref):
    xw = jnp.dot(x_ref[...], w_ref[...], preferred_element_type=jnp.float32)
    xw_ref[...] = xw
    deg = jnp.sum(degp_ref[...], axis=0) + 1.0
    dis = lax.rsqrt(deg)[:, None]
    dis_ref[...] = dis
    y = xw * dis
    ylo_ref[...] = y[:, :HD]
    yhi_ref[...] = y[:, HD:]


def _pre_call(x, w, deg_parts):
    return pl.pallas_call(
        _pre_kernel,
        grid=(GRID,),
        in_specs=[
            pl.BlockSpec((BM, D), lambda i: (i, 0)),
            pl.BlockSpec((D, D), lambda i: (0, 0)),
            pl.BlockSpec((NW, BM), lambda i: (0, i)),
        ],
        out_specs=[
            pl.BlockSpec((BM, D), lambda i: (i, 0)),
            pl.BlockSpec((BM, 1), lambda i: (i, 0)),
            pl.BlockSpec((BM, HD), lambda i: (i, 0)),
            pl.BlockSpec((BM, HD), lambda i: (i, 0)),
        ],
        out_shape=[
            jax.ShapeDtypeStruct((N_PAD, D), jnp.float32),
            jax.ShapeDtypeStruct((N_PAD, 1), jnp.float32),
            jax.ShapeDtypeStruct((N_PAD, HD), jnp.float32),
            jax.ShapeDtypeStruct((N_PAD, HD), jnp.float32),
        ],
    )(x, w, deg_parts)


def _mid_kernel(p_ref, xw_ref, dis_ref, b_ref, w_ref,
                xw2_ref, y2lo_ref, y2hi_ref):
    dis = dis_ref[...]
    xw = xw_ref[...]
    t = dis * p_ref[...] + (dis * dis) * xw + b_ref[...]
    h = jnp.maximum(t, 0.0)
    xw2 = jnp.dot(h, w_ref[...], preferred_element_type=jnp.float32)
    xw2_ref[...] = xw2
    y2 = xw2 * dis
    y2lo_ref[...] = y2[:, :HD]
    y2hi_ref[...] = y2[:, HD:]


def _mid_call(p, xw, dis, b, w):
    return pl.pallas_call(
        _mid_kernel,
        grid=(GRID,),
        in_specs=[
            pl.BlockSpec((BM, D), lambda i: (i, 0)),
            pl.BlockSpec((BM, D), lambda i: (i, 0)),
            pl.BlockSpec((BM, 1), lambda i: (i, 0)),
            pl.BlockSpec((1, D), lambda i: (0, 0)),
            pl.BlockSpec((D, D), lambda i: (0, 0)),
        ],
        out_specs=[
            pl.BlockSpec((BM, D), lambda i: (i, 0)),
            pl.BlockSpec((BM, HD), lambda i: (i, 0)),
            pl.BlockSpec((BM, HD), lambda i: (i, 0)),
        ],
        out_shape=[
            jax.ShapeDtypeStruct((N_PAD, D), jnp.float32),
            jax.ShapeDtypeStruct((N_PAD, HD), jnp.float32),
            jax.ShapeDtypeStruct((N_PAD, HD), jnp.float32),
        ],
    )(p, xw, dis, b, w)


def _final_kernel(q_ref, xw_ref, dis_ref, b_ref, w_ref, bl_ref, o_ref):
    dis = dis_ref[...]
    t = dis * q_ref[...] + (dis * dis) * xw_ref[...] + b_ref[...]
    h = jnp.maximum(t, 0.0)
    o_ref[...] = jnp.dot(h, w_ref[...],
                         preferred_element_type=jnp.float32) + bl_ref[...]


def _final_call(q, xw2, dis, b2, wlin, blin):
    return pl.pallas_call(
        _final_kernel,
        grid=(N_NODES // BMF,),
        in_specs=[
            pl.BlockSpec((BMF, D), lambda i: (i, 0)),
            pl.BlockSpec((BMF, D), lambda i: (i, 0)),
            pl.BlockSpec((BMF, 1), lambda i: (i, 0)),
            pl.BlockSpec((1, D), lambda i: (0, 0)),
            pl.BlockSpec((D, D), lambda i: (0, 0)),
            pl.BlockSpec((1, D), lambda i: (0, 0)),
        ],
        out_specs=pl.BlockSpec((BMF, D), lambda i: (i, 0)),
        out_shape=jax.ShapeDtypeStruct((N_NODES, D), jnp.float32),
    )(q, xw2, dis, b2, wlin, blin)



def kernel(x, edge_index, W1, b1, W2, b2, Wlin, blin):
    e = edge_index.shape[1]
    epw_real = e // NS
    n_extra = EPW - epw_real
    pad_src = jnp.broadcast_to(jnp.arange(n_extra, dtype=jnp.int32),
                               (1, NS, n_extra))
    pad_dst = jnp.broadcast_to(
        N_NODES + (jnp.arange(n_extra, dtype=jnp.int32) % (N_PAD - N_NODES)),
        (1, NS, n_extra))
    idx = jnp.concatenate(
        [edge_index.astype(jnp.int32).reshape(2, NS, epw_real),
         jnp.concatenate([pad_src, pad_dst], axis=0)],
        axis=2).reshape(2, NS, NCH, CHUNK)

    x_pad = jnp.zeros((N_PAD, D), jnp.float32).at[:N_NODES].set(x)

    deg_parts = _deg_call(idx)
    xw1, dis, y1lo, y1hi = _pre_call(x_pad, W1, deg_parts)

    p = _edge_call(y1lo, y1hi, idx)
    xw2, y2lo, y2hi = _mid_call(p, xw1, dis, b1.reshape(1, D), W2)

    q = _edge_call(y2lo, y2hi, idx)
    return _final_call(q, xw2, dis, b2.reshape(1, D), Wlin,
                       blin.reshape(1, D))

# --- scband reference (transcript-rebuilt; emitter-appended) ---
"""Pipeline reference for scband-gcn-61065845015012 (READ-ONLY COPY).

The authoritative reference and input builder live on the scoring server;
editing this copy changes nothing except your own understanding.
"""

import jax, jax.numpy as jnp
import numpy as np

N_NODES = 10000
N_EDGES = 320000
D_IN = 128
D_HID = 128
D_OUT = 128


def gcn_conv(x, edge_index, W, b):
    num_nodes = x.shape[0]
    xw = x @ W
    src = edge_index[0]
    dst = edge_index[1]
    # add self loops (PyG GCNConv default: add_self_loops=True)
    loop = jnp.arange(num_nodes, dtype=src.dtype)
    src = jnp.concatenate([src, loop])
    dst = jnp.concatenate([dst, loop])
    # symmetric normalization D^-1/2 (A+I) D^-1/2
    ones = jnp.ones(dst.shape[0], dtype=xw.dtype)
    deg = jax.ops.segment_sum(ones, dst, num_segments=num_nodes)
    deg_inv_sqrt = jnp.where(deg > 0, deg ** -0.5, 0.0)
    norm = deg_inv_sqrt[src] * deg_inv_sqrt[dst]
    msg = xw[src] * norm[:, None]
    out = jax.ops.segment_sum(msg, dst, num_segments=num_nodes)
    return out + b


def setup_inputs(seed: int = 0) -> dict:
    key = jax.random.key(seed)
    k = jax.random.split(key, 8)
    x = jax.random.normal(k[0], (N_NODES, D_IN), dtype=jnp.float32)
    edge_index = jax.random.randint(k[1], (2, N_EDGES), 0, N_NODES, dtype=jnp.int64)
    s1 = (1.0 / D_IN) ** 0.5
    s2 = (1.0 / D_HID) ** 0.5
    W1 = jax.random.uniform(k[2], (D_IN, D_HID), jnp.float32, -s1, s1)
    b1 = jnp.zeros((D_HID,), jnp.float32)
    W2 = jax.random.uniform(k[3], (D_HID, D_HID), jnp.float32, -s2, s2)
    b2 = jnp.zeros((D_HID,), jnp.float32)
    Wlin = jax.random.uniform(k[4], (D_HID, D_OUT), jnp.float32, -s2, s2)
    blin = jax.random.uniform(k[5], (D_OUT,), jnp.float32, -s2, s2)
    return {"x": x, "edge_index": edge_index, "W1": W1, "b1": b1, "W2": W2, "b2": b2, "Wlin": Wlin, "blin": blin}


def reference(x, edge_index, W1, b1, W2, b2, Wlin, blin):
    h = gcn_conv(x, edge_index, W1, b1)
    h = jax.nn.relu(h)
    # dropout(p=0.5, training=self.training): identity in eval mode
    h = gcn_conv(h, edge_index, W2, b2)
    h = jax.nn.relu(h)
    out = h @ Wlin + blin
    return out

if __name__ == "__main__":
    import jax
    _d = setup_inputs()
    print(jax.jit(kernel)(*tuple(_d.values())))

</pallas_src>

<mosaic_0001>
#map = affine_map<(d0, d1) -> (0, 0, 0, 0)>
#map1 = affine_map<(d0, d1) -> (0, 0)>
module attributes {stable_mosaic.version = 14 : i64} {
  func.func @_deg_kernel(%arg0: i32, %arg1: i32, %arg2: memref<2x16x160x128xi32, #tpu.memory_space<hbm>>, %arg3: memref<32x10240xf32, #tpu.memory_space<hbm>>, %arg4: memref<80x128xi32, #tpu.memory_space<vmem>>, %arg5: memref<10240xf32, #tpu.memory_space<vmem>>) attributes {dimension_semantics = [#tpu.dimension_semantics<core_parallel>, #tpu.dimension_semantics<subcore_parallel>], iteration_bounds = array<i64: 2, 16>, scalar_prefetch = 0 : i64, scratch_operands = 2 : i64, tpu.core_type = #tpu.core_type<sc_vector_subcore>, window_params = [{transform_indices = #map}, {transform_indices = #map1}]} {
    %mul3A = arith.constant 2 : i32
    %mul3A_0 = arith.muli %arg1, %mul3A : i32
    %add3A = arith.addi %mul3A_0, %arg0 : i32
    %mul3A_1 = arith.constant 80 : i32
    %mul3A_2 = arith.muli %arg0, %mul3A_1 : i32
    %run_scoped3A = arith.constant 1 : i32
    "tpu.region"() ({
      %run_scoped3A_15 = tpu.sem_alloc : memref<!tpu.dma_semaphore, #tpu.memory_space<semaphore_mem>>
      %dma_start3A = arith.constant 0 : i32
      %dma_start3A_16 = tpu.memref_slice %arg2[%run_scoped3A, %arg1, %mul3A_2, %dma_start3A] : memref<2x16x160x128xi32, #tpu.memory_space<hbm>> -> memref<1x1x80x128xi32, #tpu.memory_space<hbm>>
      %dma_start3A_17 = tpu.memref_squeeze %dma_start3A_16 : memref<1x1x80x128xi32, #tpu.memory_space<hbm>> -> memref<80x128xi32, #tpu.memory_space<hbm>>
      %dma_start3A_18 = arith.constant 0 : i32
      %dma_start3A_19 = tpu.memref_slice %arg2[%run_scoped3A, %arg1, %mul3A_2, %dma_start3A_18] : memref<2x16x160x128xi32, #tpu.memory_space<hbm>> -> memref<1x1x80x128xi32, #tpu.memory_space<hbm>>
      %dma_start3A_20 = tpu.memref_squeeze %dma_start3A_19 : memref<1x1x80x128xi32, #tpu.memory_space<hbm>> -> memref<80x128xi32, #tpu.memory_space<hbm>>
      tpu.enqueue_dma source(%dma_start3A_20 : memref<80x128xi32, #tpu.memory_space<hbm>>) target(%arg4 : memref<80x128xi32, #tpu.memory_space<vmem>>) target_semaphore(%run_scoped3A_15 : memref<!tpu.dma_semaphore, #tpu.memory_space<semaphore_mem>>)
      %dma_wait3A = arith.constant 0 : i32
      %dma_wait3A_21 = tpu.memref_slice %arg2[%run_scoped3A, %arg1, %mul3A_2, %dma_wait3A] : memref<2x16x160x128xi32, #tpu.memory_space<hbm>> -> memref<1x1x80x128xi32, #tpu.memory_space<hbm>>
      %dma_wait3A_22 = tpu.memref_squeeze %dma_wait3A_21 : memref<1x1x80x128xi32, #tpu.memory_space<hbm>> -> memref<80x128xi32, #tpu.memory_space<hbm>>
      %dma_wait3A_23 = arith.constant 0 : i32
      %dma_wait3A_24 = tpu.memref_slice %arg2[%run_scoped3A, %arg1, %mul3A_2, %dma_wait3A_23] : memref<2x16x160x128xi32, #tpu.memory_space<hbm>> -> memref<1x1x80x128xi32, #tpu.memory_space<hbm>>
      %dma_wait3A_25 = tpu.memref_squeeze %dma_wait3A_24 : memref<1x1x80x128xi32, #tpu.memory_space<hbm>> -> memref<80x128xi32, #tpu.memory_space<hbm>>
      tpu.wait_dma2 semaphore(%run_scoped3A_15 : memref<!tpu.dma_semaphore, #tpu.memory_space<semaphore_mem>>) src(%dma_wait3A_25 : memref<80x128xi32, #tpu.memory_space<hbm>>) dst(%arg4 : memref<80x128xi32, #tpu.memory_space<vmem>>)
      tpu.yield
    }) : () -> ()
    %broadcast_in_dim3A = arith.constant 0.000000e+00 : f32
    %broadcast_in_dim3A_3 = vector.broadcast %broadcast_in_dim3A : f32 to vector<16xf32>
    %scan3A = arith.constant 0 : i32
    %scan3A_4 = arith.constant 640 : i32
    %scan3A_5 = arith.addi %scan3A, %scan3A_4 : i32
    %scan3A_6 = arith.constant 1 : i32
    scf.for %scan3A_15 = %scan3A to %scan3A_5 step %scan3A_6  : i32 {
      %mul3A_16 = arith.constant 1 : i32
      %mul3A_17 = arith.muli %scan3A_15, %mul3A_16 : i32
      %add3A_18 = arith.constant 0 : i32
      %add3A_19 = arith.addi %add3A_18, %mul3A_17 : i32
      %mul3A_20 = arith.constant 16 : i32
      %mul3A_21 = arith.muli %add3A_19, %mul3A_20 : i32
      %swap3A = arith.index_cast %mul3A_21 : i32 to index
      %swap3A_22 = tpu.vector_load %arg5[%swap3A] {strides = array<i32>} : memref<10240xf32, #tpu.memory_space<vmem>>, vector<16xf32>,
      tpu.vector_store %arg5[%swap3A], %broadcast_in_dim3A_3 {strides = array<i32>} : memref<10240xf32, #tpu.memory_space<vmem>>, vector<16xf32>,
    }
    %scan3A_7 = arith.constant 640 : i32
    %broadcast_in_dim3A_8 = arith.constant 1.000000e+00 : f32
    %broadcast_in_dim3A_9 = vector.broadcast %broadcast_in_dim3A_8 : f32 to vector<16xf32>
    %scan3A_10 = arith.constant 0 : i32
    %scan3A_11 = arith.constant 80 : i32
    %scan3A_12 = arith.addi %scan3A_10, %scan3A_11 : i32
    %scan3A_13 = arith.constant 1 : i32
    scf.for %scan3A_15 = %scan3A_10 to %scan3A_12 step %scan3A_13  : i32 {
      %mul3A_16 = arith.constant 1 : i32
      %mul3A_17 = arith.muli %scan3A_15, %mul3A_16 : i32
      %add3A_18 = arith.constant 0 : i32
      %add3A_19 = arith.addi %add3A_18, %mul3A_17 : i32
      %get3A = arith.index_cast %add3A_19 : i32 to index
      %get3A_20 = arith.constant 0 : index
      %get3A_21 = tpu.vector_load %arg4[%get3A, %get3A_20] {strides = array<i32>} : memref<80x128xi32, #tpu.memory_space<vmem>>, vector<16xi32>,
      tpu.vector_store_idx %arg5[%get3A_21], %broadcast_in_dim3A_9 {add = true} : memref<10240xf32, #tpu.memory_space<vmem>>[vector<16xi32>], vector<16xf32>,
      %get3A_22 = arith.index_cast %add3A_19 : i32 to index
      %get3A_23 = arith.constant 16 : index
      %get3A_24 = tpu.vector_load %arg4[%get3A_22, %get3A_23] {strides = array<i32>} : memref<80x128xi32, #tpu.memory_space<vmem>>, vector<16xi32>,
      tpu.vector_store_idx %arg5[%get3A_24], %broadcast_in_dim3A_9 {add = true} : memref<10240xf32, #tpu.memory_space<vmem>>[vector<16xi32>], vector<16xf32>,
      %get3A_25 = arith.index_cast %add3A_19 : i32 to index
      %get3A_26 = arith.constant 32 : index
      %get3A_27 = tpu.vector_load %arg4[%get3A_25, %get3A_26] {strides = array<i32>} : memref<80x128xi32, #tpu.memory_space<vmem>>, vector<16xi32>,
      tpu.vector_store_idx %arg5[%get3A_27], %broadcast_in_dim3A_9 {add = true} : memref<10240xf32, #tpu.memory_space<vmem>>[vector<16xi32>], vector<16xf32>,
      %get3A_28 = arith.index_cast %add3A_19 : i32 to index
      %get3A_29 = arith.constant 48 : index
      %get3A_30 = tpu.vector_load %arg4[%get3A_28, %get3A_29] {strides = array<i32>} : memref<80x128xi32, #tpu.memory_space<vmem>>, vector<16xi32>,
      tpu.vector_store_idx %arg5[%get3A_30], %broadcast_in_dim3A_9 {add = true} : memref<10240xf32, #tpu.memory_space<vmem>>[vector<16xi32>], vector<16xf32>,
      %get3A_31 = arith.index_cast %add3A_19 : i32 to index
      %get3A_32 = arith.constant 64 : index
      %get3A_33 = tpu.vector_load %arg4[%get3A_31, %get3A_32] {strides = array<i32>} : memref<80x128xi32, #tpu.memory_space<vmem>>, vector<16xi32>,
      tpu.vector_store_idx %arg5[%get3A_33], %broadcast_in_dim3A_9 {add = true} : memref<10240xf32, #tpu.memory_space<vmem>>[vector<16xi32>], vector<16xf32>,
      %get3A_34 = arith.index_cast %add3A_19 : i32 to index
      %get3A_35 = arith.constant 80 : index
      %get3A_36 = tpu.vector_load %arg4[%get3A_34, %get3A_35] {strides = array<i32>} : memref<80x128xi32, #tpu.memory_space<vmem>>, vector<16xi32>,
      tpu.vector_store_idx %arg5[%get3A_36], %broadcast_in_dim3A_9 {add = true} : memref<10240xf32, #tpu.memory_space<vmem>>[vector<16xi32>], vector<16xf32>,
      %get3A_37 = arith.index_cast %add3A_19 : i32 to index
      %get3A_38 = arith.constant 96 : index
      %get3A_39 = tpu.vector_load %arg4[%get3A_37, %get3A_38] {strides = array<i32>} : memref<80x128xi32, #tpu.memory_space<vmem>>, vector<16xi32>,
      tpu.vector_store_idx %arg5[%get3A_39], %broadcast_in_dim3A_9 {add = true} : memref<10240xf32, #tpu.memory_space<vmem>>[vector<16xi32>], vector<16xf32>,
      %get3A_40 = arith.index_cast %add3A_19 : i32 to index
      %get3A_41 = arith.constant 112 : index
      %get3A_42 = tpu.vector_load %arg4[%get3A_40, %get3A_41] {strides = array<i32>} : memref<80x128xi32, #tpu.memory_space<vmem>>, vector<16xi32>,
      tpu.vector_store_idx %arg5[%get3A_42], %broadcast_in_dim3A_9 {add = true} : memref<10240xf32, #tpu.memory_space<vmem>>[vector<16xi32>], vector<16xf32>,
    }
    %scan3A_14 = arith.constant 80 : i32
    "tpu.region"() ({
      %run_scoped3A_15 = tpu.sem_alloc : memref<!tpu.dma_semaphore, #tpu.memory_space<semaphore_mem>>
      %dma_start3A = arith.constant 0 : i32
      %dma_start3A_16 = tpu.memref_slice %arg3[%add3A, %dma_start3A] : memref<32x10240xf32, #tpu.memory_space<hbm>> -> memref<1x10240xf32, #tpu.memory_space<hbm>>
      %dma_start3A_17 = tpu.memref_squeeze %dma_start3A_16 : memref<1x10240xf32, #tpu.memory_space<hbm>> -> memref<10240xf32, #tpu.memory_space<hbm>>
      %dma_start3A_18 = arith.constant 0 : i32
      %dma_start3A_19 = tpu.memref_slice %arg3[%add3A, %dma_start3A_18] : memref<32x10240xf32, #tpu.memory_space<hbm>> -> memref<1x10240xf32, #tpu.memory_space<hbm>>
      %dma_start3A_20 = tpu.memref_squeeze %dma_start3A_19 : memref<1x10240xf32, #tpu.memory_space<hbm>> -> memref<10240xf32, #tpu.memory_space<hbm>>
      tpu.enqueue_dma source(%arg5 : memref<10240xf32, #tpu.memory_space<vmem>>) target(%dma_start3A_20 : memref<10240xf32, #tpu.memory_space<hbm>>) target_semaphore(%run_scoped3A_15 : memref<!tpu.dma_semaphore, #tpu.memory_space<semaphore_mem>>)
      %dma_wait3A = arith.constant 0 : i32
      %dma_wait3A_21 = tpu.memref_slice %arg3[%add3A, %dma_wait3A] : memref<32x10240xf32, #tpu.memory_space<hbm>> -> memref<1x10240xf32, #tpu.memory_space<hbm>>
      %dma_wait3A_22 = tpu.memref_squeeze %dma_wait3A_21 : memref<1x10240xf32, #tpu.memory_space<hbm>> -> memref<10240xf32, #tpu.memory_space<hbm>>
      %dma_wait3A_23 = arith.constant 0 : i32
      %dma_wait3A_24 = tpu.memref_slice %arg3[%add3A, %dma_wait3A_23] : memref<32x10240xf32, #tpu.memory_space<hbm>> -> memref<1x10240xf32, #tpu.memory_space<hbm>>
      %dma_wait3A_25 = tpu.memref_squeeze %dma_wait3A_24 : memref<1x10240xf32, #tpu.memory_space<hbm>> -> memref<10240xf32, #tpu.memory_space<hbm>>
      tpu.wait_dma2 semaphore(%run_scoped3A_15 : memref<!tpu.dma_semaphore, #tpu.memory_space<semaphore_mem>>) src(%arg5 : memref<10240xf32, #tpu.memory_space<vmem>>) dst(%dma_wait3A_25 : memref<10240xf32, #tpu.memory_space<hbm>>)
      tpu.yield
    }) : () -> ()
    return
  }
}

</mosaic_0001>

<sc_bundles>
// kernel: _deg_call.3.cloned.1.call-start
scs
__scs_entry_jumppad:
0x0: {  	(pc) =	sbr.rel $0x88, $3  }
0x1: {  	(tag) =	ssettag $0x0;
	lr =	simm.s32 $0x1  }
0x2: {  	[smem:$0x3FA0] =	sst lr;
	_ =	strace $0xD0000000  }
0x3: {  	_ = 	snop  }
0x4: {  	_ = 	snop  }
0x5: {  	_ = 	snop  }
0x6: {  	_ = 	snop  }
0x7: {  	_ = 	snop  }
__scs_overlays_trampoline_lowered:
0x8: {  	[smem:$0x3FAF] =	sst s0  }
0x9: {  	[smem:$0x3FB0] =	sst s1  }
0xa: {  	[smem:$0x3FB1] =	sst s2  }
0xb: {  	[smem:$0x3FB2] =	sst s3  }
0xc: {  	[smem:$0x3FB3] =	sst s4  }
0xd: {  	[smem:$0x3FB4] =	sst s5  }
0xe: {  	[smem:$0x3FB5] =	sst s6  }
0xf: {  	[smem:$0x3FB6] =	sst s7  }
0x10: {  	[smem:$0x3FB7] =	sst s8  }
0x11: {  	[smem:$0x3FB8] =	sst s9;
	s0 =	simm.s32 @!p0 $0x0  }
0x12: {  	s1 =	sld [smem:$0x3F9E];
	s0 =	simm.s32 @p0 $0x1  }
0x13: {  	[smem:$0x3FB9] =	sst s0;
	s0 =	simm.s32 @!p1 $0x0  }
0x14: {  	s2 =	sld [smem:$0x3F9D];
	s0 =	simm.s32 @p1 $0x1  }
0x15: {  	[smem:$0x3FBA] =	sst s0;
	s0 =	simm.s32 @!p2 $0x0  }
0x16: {  	s3 =	sld [smem:$0x3FDB];
	s0 =	simm.s32 @p2 $0x1  }
0x17: {  	s4 =	simm.s32 $0x1BF5;
	[smem:$0x3FBC] =	sst s0  }
0x18: {  	s0 =	sld [smem:$0x3F9F];
	_ =	swait.ge [sflag:s4], $0x0  }
0x19: {  	s7 =	sld [smem:$0x3FA0]  }
0x1a: {  	s8 =	sadd.s32 $0xFFFFE003, lr  }
0x1b: {  	s9 =	sadd.s32 $0xFFFFFEF7, lr;
	s5 =	simm.s32 $0xFFFFFFFF;
	p2 =	slt.u32 s8, $0xFFFFF086  }
0x1c: {  	p1 =	slt.u32 s9, $0xF7A;
	s5 =	simm.s32 @!p2 $0x0  }
0x1d: {  	s5 =	simm.s32 @p1 $0x1;
	p0 =	seq.s32 s7, s2  }
0x1e: {  	s7 =	smul.u32 @!p0 $0xF7A, s2;
	p2 =	seq.s32 @!p0 s5, $0x0  }
0x1f: {  	s9 =	smul.u32 $0xF7A, s1;
	s8 =	simm.s32 @!p0 $0x1BF5;
	p2 =	por !p2, p0  }
0x20: {  	[sflag:s8] =	ssyncset.s32 @!p0 $0xFFFFF086;
	s6 =	sadd.s32 @!p0 s3, s7;
	s7 =	simm.s32 @!p0 $0x108  }
0x21: {  	s3 =	sadd.s32 s3, s9;
	s6 =	sadd.s32 @!p0 $0x88, s6;
	s7 =	simm.s32 @p2 $0x1082  }
0x22: {  	[simem:s7], [sflag:s8] =	dma.local @!p0 [hbm:s6], $0xF7A  }
0x23: {  	s9 =	sor.u32 $0xD0000000, s2;
	s6 =	simm.s32 $0x108;
	_ =	swait.ge @!p0 [sflag:s8], $0x0  }
0x24: {  	s3 =	sadd.s32 $0x88, s3;
	s6 =	simm.s32 @!p1 $0x1082;
	[sflag:s4] =	ssyncset.s32 $0xFFFFF086  }
0x25: {  	[simem:s6], [sflag:s4] =	dma.local [hbm:s3], $0xF7A  }
0x26: {  	[smem:$0x3FA0] =	sst s1;
	(tag) =	ssettag s2;
	_ =	strace s9  }
0x27: {  	s1 =	sld [smem:$0x3FB0]  }
0x28: {  	s2 =	sld [smem:$0x3FB1]  }
0x29: {  	s4 =	sld [smem:$0x3FB3]  }
0x2a: {  	p0 =	seq.s32 s5, $0x0;
	s5 =	sld [smem:$0x3FB4]  }
0x2b: {  	s6 =	sld [smem:$0x3FB5]  }
0x2c: {  	s7 =	sld [smem:$0x3FB6]  }
0x2d: {  	s3 =	simm.s32 $0x108;
	s8 =	sld [smem:$0x3FB7]  }
0x2e: {  	s3 =	simm.s32 @!p0 $0x1082;
	s9 =	sld [smem:$0x3FB8]  }
0x2f: {  	lr =	sadd.s32 s0, s3;
	s0 =	sld [smem:$0x3FAF]  }
0x30: {  	s3 =	sld [smem:$0x3FB2]  }
0x31: {  	[smem:$0x3FBB] =	sst s10  }
0x32: {  	s10 =	sld [smem:$0x3FB9];
	_ =	sdelay $0x3  }
0x33: {  	p0 =	seq.s32 s10, $0x1;
	s10 =	sld [smem:$0x3FBB];
	_ =	sdelay $0x3  }
0x34: {  	[smem:$0x3FBB] =	sst s10  }
0x35: {  	s10 =	sld [smem:$0x3FBA];
	_ =	sdelay $0x3  }
0x36: {  	p1 =	seq.s32 s10, $0x1;
	s10 =	sld [smem:$0x3FBB];
	_ =	sdelay $0x3  }
0x37: {  	[smem:$0x3FBB] =	sst s10  }
0x38: {  	s10 =	sld [smem:$0x3FBC]  }
0x39: {  	_ = 	snop;
	(pc) =	sbr.ind lr, $3  }
0x3a: {  	_ = 	snop  }
0x3b: {  	_ = 	snop  }
0x3c: {  	p2 =	seq.s32 s10, $0x1;
	s10 =	sld [smem:$0x3FBB]  }
0x3d: {  	_ =	shalt  }
0x3e: {  	_ =	shalt  }
0x3f: {  	_ =	shalt  }
0x40: {  	_ =	shalt  }
0x41: {  	_ =	shalt  }
0x42: {  	_ =	shalt  }
0x43: {  	_ =	shalt  }
0x44: {  	_ =	shalt  }
0x45: {  	_ =	shalt  }
0x46: {  	_ =	shalt  }
0x47: {  	_ =	shalt  }
0x48: {  	_ =	shalt  }
0x49: {  	_ =	shalt  }
0x4a: {  	_ =	shalt  }
0x4b: {  	_ =	shalt  }
0x4c: {  	_ =	shalt  }
0x4d: {  	_ =	shalt  }
0x4e: {  	_ =	shalt  }
0x4f: {  	_ =	shalt  }
0x50: {  	_ =	shalt  }
0x51: {  	_ =	shalt  }
0x52: {  	_ =	shalt  }
0x53: {  	_ =	shalt  }
0x54: {  	_ =	shalt  }
0x55: {  	_ =	shalt  }
0x56: {  	_ =	shalt  }
0x57: {  	_ =	shalt  }
0x58: {  	_ =	shalt  }
0x59: {  	_ =	shalt  }
0x5a: {  	_ =	shalt  }
0x5b: {  	_ =	shalt  }
0x5c: {  	_ =	shalt  }
0x5d: {  	_ =	shalt  }
0x5e: {  	_ =	shalt  }
0x5f: {  	_ =	shalt  }
0x60: {  	_ =	shalt  }
0x61: {  	_ =	shalt  }
0x62: {  	_ =	shalt  }
0x63: {  	_ =	shalt  }
0x64: {  	_ =	shalt  }
0x65: {  	_ =	shalt  }
0x66: {  	_ =	shalt  }
0x67: {  	_ =	shalt  }
0x68: {  	_ =	shalt  }
0x69: {  	_ =	shalt  }
0x6a: {  	_ =	shalt  }
0x6b: {  	_ =	shalt  }
0x6c: {  	_ =	shalt  }
0x6d: {  	_ =	shalt  }
0x6e: {  	_ =	shalt  }
0x6f: {  	_ =	shalt  }
0x70: {  	_ =	shalt  }
0x71: {  	_ =	shalt  }
0x72: {  	_ =	shalt  }
0x73: {  	_ =	shalt  }
0x74: {  	_ =	shalt  }
0x75: {  	_ =	shalt  }
0x76: {  	_ =	shalt  }
0x77: {  	_ =	shalt  }
0x78: {  	_ =	shalt  }
0x79: {  	_ =	shalt  }
0x7a: {  	_ =	shalt  }
0x7b: {  	_ =	shalt  }
0x7c: {  	_ =	shalt  }
0x7d: {  	_ =	shalt  }
0x7e: {  	_ =	shalt  }
0x7f: {  	_ =	shalt  }
0x80: {  	_ =	shalt  }
0x81: {  	_ =	shalt  }
0x82: {  	_ =	shalt  }
0x83: {  	_ =	shalt  }
0x84: {  	_ =	shalt  }
0x85: {  	_ =	shalt  }
0x86: {  	_ =	shalt  }
0x87: {  	_ =	shalt  }
.Lfunc_end0:
.L_simem_size_0:
called_computation_lowered:
.L_overlay_start_0:
0x88: {  	s2 =	sld [smem:$0x3FD9]  }
0x89: {  	s3 =	sld [smem:$0x3FFE];
	_ =	sdelay $0x1  }
0x8a: {  	s1 =	srdreg.scid  }
0x8b: {  	s0 =	sand.u32 $0x1, s1  }
0x8c: {  	s17 =	sshll.u32 s0, $0xA;
	s2 =	sadd.s32 s3, s2  }
0x8d: {  	s2 =	sadd.s32 s2, s17  }
0x8e: {  	[smem:$0x3FC7] =	sst s2  }
0x8f: {  	_ = 	snop  }
0x90: {  	s2 =	sld [smem:$0x3FC9];
	(tm) =	ssettm $0x1  }
0x91: {  	s18 =	sld [smem:$0x3FFB];
	_ =	sdelay $0x3  }
0x92: {  	_ =	strace s18  }
0x93: {  	s3 =	sld [smem:$0x3FFC];
	_ =	sdelay $0x3  }
0x94: {  	_ =	strace s3  }
0x95: {  	s3 =	sld [smem:$0x3FFD];
	_ =	sdelay $0x3  }
0x96: {  	_ =	strace s3  }
0x97: {  	_ =	strace $0x8FFFFFFF  }
0x98: {  	s19 =	sld [smem:$0x3FDB];
	_ =	sdelay $0x1  }
0x99: {  	s4 =	simm.s32 $_scs_section_size  }
0x9a: {  	s5 =	simm.s32 $_size__tile_overlayer_lowered;
	s6 =	simm.s32 $_tile_overlayer_lowered  }
0x9b: {  	s22 =	simm.s32 $0x1BFF;
	s21 =	sshll.u32 s6, $0x1;
	s3 =	sadd.s32 s4, s19  }
0x9c: {  	s7 =	simm.s32 $0x0;
	s20 =	sshll.u32 s5, $0x1;
	s5 =	sadd.s32 s21, s3  }
0x9d: {  	[timem:s7], [sflag:s22] =	dma.local [hbm:s5], s20  }
0x9e: {  	_ =	swait.ge [sflag:s22], s20  }
0x9f: {  	s4 =	ssub.s32 $0x0, s20;
	[sflag:s22] =	ssyncset.done $0x0  }
0xa0: {  	[sflag:s22] =	ssyncadd.s32 s4;
	_ =	sdelay $0x1  }
0xa1: {  	s23 =	simm.s32 $0x1B8B  }
0xa2: {  	_ =	swait.ge [sflag:s23], $0x1  }
0xa3: {  	[sflag:s23] =	ssyncset.done $0x0  }
0xa4: {  	s25 =	simm.s32 $0x1B8E;
	s24 =	sld [smem:$0x3FFE];
	[sflag:s23] =	ssyncadd.s32 $0xFFFFFFFF  }
0xa5: {  	s26 =	simm.s32 $execute0_lowered;
	[smem:$0x3FD2] =	sst s25  }
0xa6: {  	s5 =	sshll.u32 s26, $0x1;
	_ =	strace $0x80000046;
	[dreg:$0x1] =	wrdreg $0xFFFFFFFF  }
0xa7: {  	s28 =	simm.s32 $_size_execute0_lowered;
	s3 =	sadd.s32 s3, s5;
	[dreg:$0x0] =	wrdreg $0x0  }
0xa8: {  	s5 =	sshll.u32 s28, $0x1;
	[dreg:$0x2] =	wrdreg s3  }
0xa9: {  	[dreg:$0x3] =	wrdreg s5  }
0xaa: {  	[dreg:$0x4] =	wrdreg $0xC0  }
0xab: {  	_ =	task [dreg:s7], $0x5FFFF  }
0xac: {  	[dreg:$0x1] =	wrdreg $0xFFFFFFFF  }
0xad: {  	[dreg:$0x0] =	wrdreg $0x60  }
0xae: {  	[dreg:$0x2] =	wrdreg s2  }
0xaf: {  	[dreg:$0x3] =	wrdreg s24  }
0xb0: {  	[dreg:$0x4] =	wrdreg $0x9  }
0xb1: {  	_ =	task.clear_ibuf [dreg:s7], $0x5FFFF;
	_ =	strace $0x90000046  }
0xb2: {  	s29 =	simm.s32 $0x9;
	_ =	strace $0x80000048  }
0xb3: {  	_ =	swait.ge [sflag:s29], $0x1  }
0xb4: {  	[sflag:s29] =	ssyncadd.s32 $0xFFFFFFFF  }
0xb5: {  	_ =	strace $0x90000048  }
0xb6: {  	_ =	sfence  }
0xb7: {  	s30 =	sld [smem:$0x0];
	_ =	sdelay $0x2  }
0xb8: {  	s31 =	sshll.u32 s1, $0xD;
	s1 =	sshrl.u32 s1, $0x2  }
0xb9: {  	s3 =	sand.u32 $0x4000, s31;
	s1 =	sadd.s32 s1, s30  }
0xba: {  	s0 =	sor.u32 s3, s0;
	s1 =	sshll.u32 s1, $0x11  }
0xbb: {  	s0 =	sor.u32 s1, s0  }
0xbc: {  	s0 =	sadd.s32 $0x8F2B, s0  }
0xbd: {  	[sflag:s0] =	ssyncadd.remote.s32 $0x1  }
0xbe: {  	_ =	sfence.sel $0xFFFF  }
0xbf: {  	[dreg:$0x0] =	wrdreg $0xFFFFFFFF;
	(pc) =	sbr.abs _section_cstart, $3  }
0xc0: {  	[dreg:$0x1] =	wrdreg $0xFFFFFFFF  }
0xc1: {  	_ =	task.clear_ibuf [dreg:s7], $0x2FFFF;
	_ =	strace $0x9FFFFFFF  }
0xc2: {  	(tm) =	ssettm $0x7FFFFFFF  }
0xc3: {  	_ =	shalt  }
tec
execute0_lowered:
.L_overlay_start_1:
0x0: {  	(tag) =	ssettag $0x1  }
0x1: {  	s3 =	rddreg [dreg:$0x0]  }
0x2: {  	s4 =	rddreg [dreg:$0x1];
	s2 =	srdreg.scid  }
0x3: {  	s1 =	stileid.u32;
	s0 =	rddreg [dreg:$0x2];
	s5 =	sand.u32 $0x1, s2  }
0x4: {  	s6 =	smul.u32 $0x5000, s1;
	s2 =	simm.s32 $0x0;
	s7 =	sshll.u32 s1, $0x1  }
0x5: {  	s8 =	smul.u32 $0x2800, s5;
	s7 =	sor.u32 s5, s7;
	s5 =	ssub.s32 $0x2, s5  }
0x6: {  	[smem:$0x7FF] =	sst s2;
	s7 =	smul.u32 $0x500, s7;
	s31 =	sshrl.u32 s5, $0x1  }
0x7: {  	_ =	strace $0x80000047;
	s6 =	sadd.s32 s8, s6;
	s5 =	ssub.s32 s5, s31  }
0x8: {  	s8 =	simm.s32 $0x0;
	s6 =	sadd.s32 $0x50000, s6;
	s4 =	sadd.s32 s7, s4  }
0x9: {  	s5 =	smax.u32 s5, $0x1;
	s7 =	simm.s32 $0x2800;
	s6 =	sshrl.u32 s6, $0x3  }
0xa: {  	v0 =	vimm.f32 $0.0e+00;
	v1 =	vimm.f32 $1.000000000e+00;
	s4 =	sadd.s32 $0x400, s4;
	s3 =	sadd.s32 s3, s6;
	s6 =	simm.s32 $0x1  }
.LBB2_1:
0xb: {  	[tilespmem:s2], [sflag:$0x1] =	stream.linear.gather [hbm4b:s3+s2], $0x2800, $0x38;
	[tilespmem:$0x5000] =	vst v63  }
0xc: {  	_ =	swait.ge [sflag:s6], $0x2800  }
0xd: {  	[sflag:s6] =	ssyncset.done $0x0  }
0xe: {  	s9 =	simm.s32 $0x0;
	[sflag:s6] =	ssyncadd.s32 $0xFFFFD800  }
.LBB2_2:
0xf: {  	p0 =	sne.s32 s9, $0x9FC0  }
.Ltmp0:
0x10: {  	_ = 	snop;
	(pc) =	sbr.rel @p0 .LBB2_2-.Ltmp0, $3  }
0x11: {  	_ =	sdelay $0x1  }
0x12: {  	s10 =	sshra.s32 s9, $0x2  }
0x13: {  	s9 =	sadd.s32 $0x40, s9;
	[tilespmem:s10+$0x2800] =	vst v0  }
0x14: {  	s9 =	simm.s32 $0x0  }
.LBB2_4:
0x15: {  	s10 =	sshra.s32 s9, $0x2  }
0x16: {  	v2 =	vld [tilespmem:s10+$0x0];
	_ =	sdelay $0x7  }
0x17: {  	[tilespmem:v2+s7+$0x0] =	vst.idx.add.f32.msk $0xffff, v1  }
0x18: {  	v2 =	vld [tilespmem:s10+$0x10];
	_ =	sdelay $0x7  }
0x19: {  	[tilespmem:v2+s7+$0x0] =	vst.idx.add.f32.msk $0xffff, v1  }
0x1a: {  	v2 =	vld [tilespmem:s10+$0x20];
	_ =	sdelay $0x7  }
0x1b: {  	[tilespmem:v2+s7+$0x0] =	vst.idx.add.f32.msk $0xffff, v1  }
0x1c: {  	v2 =	vld [tilespmem:s10+$0x30];
	_ =	sdelay $0x7  }
0x1d: {  	[tilespmem:v2+s7+$0x0] =	vst.idx.add.f32.msk $0xffff, v1  }
0x1e: {  	v2 =	vld [tilespmem:s10+$0x40];
	_ =	sdelay $0x7  }
0x1f: {  	[tilespmem:v2+s7+$0x0] =	vst.idx.add.f32.msk $0xffff, v1  }
0x20: {  	v2 =	vld [tilespmem:s10+$0x50];
	_ =	sdelay $0x7  }
0x21: {  	[tilespmem:v2+s7+$0x0] =	vst.idx.add.f32.msk $0xffff, v1  }
0x22: {  	v2 =	vld [tilespmem:s10+$0x60];
	_ =	sdelay $0x7  }
0x23: {  	[tilespmem:v2+s7+$0x0] =	vst.idx.add.f32.msk $0xffff, v1  }
0x24: {  	v2 =	vld [tilespmem:s10+$0x70];
	_ =	sdelay $0x2  }
0x25: {  	p0 =	sne.s32 s9, $0x9E00  }
.Ltmp1:
0x26: {  	_ = 	snop;
	(pc) =	sbr.rel @p0 .LBB2_4-.Ltmp1, $2  }
0x27: {  	_ =	sdelay $0x2  }
0x28: {  	s9 =	sadd.s32 $0x200, s9;
	[tilespmem:v2+s7+$0x0] =	vst.idx.add.f32.msk $0xffff, v1  }
0x29: {  	s8 =	sadd.s32 $0x1, s8  }
0x2a: {  	p0 =	sne.s32 s8, s5  }
.Ltmp2:
0x2b: {  	_ = 	snop;
	(pc) =	sbr.rel @p0 .LBB2_1-.Ltmp2, $4  }
0x2c: {  	[hbm4b:s4+s2] =	stream.linear.scatter [tilespmem:s7], [sflag:$0x1], $0x2800, $0x38;
	[tilespmem:$0x5000] =	vst v63  }
0x2d: {  	_ =	swait.ge [sflag:s6], $0x2800  }
0x2e: {  	[sflag:s6] =	ssyncset.done $0x0  }
0x2f: {  	[sflag:s6] =	ssyncadd.s32 $0xFFFFD800  }
0x30: {  	_ =	sfence.sel $0x180000  }
0x31: {  	[bflag:$0x0] =	sbarrier.arrive $0xFFFF  }
0x32: {  	p0 =	sne.s32 s1, $0x0;
	_ =	strace $0x90000047  }
0x33: {  	s0 =	sadd.s32 @!p0 $0x100000, s0;
	[bflag:$0x2] =	sbarrier.arrive $0xFFFF  }
0x34: {  	[sflag:s0] =	ssyncadd.tile.s32 @!p0 $0x1;
	_ =	shalt  }
.Lfunc_end2:
_tile_overlayer_lowered:
.L_overlay_start_2:
0x35: {  	(tag) =	ssettag $0x2  }
0x36: {  	s0 =	rddreg [dreg:$0x0];
	s2 =	stileid.u32  }
0x37: {  	s1 =	rddreg [dreg:$0x1];
	p0 =	sne.s32 s2, $0x0  }
0x38: {  	s3 =	rddreg [dreg:$0x2];
	[bflag:$0x3] =	sbarrier.arrive $0xFFFF;
	s2 =	simm.s32 @!p0 $0x1C01  }
0x39: {  	[timem:s3], [sflag:s2] =	dma.local @!p0 [hbm:s0], s1  }
0x3a: {  	s0 =	simm.s32 @!p0 $0x1  }
0x3b: {  	_ =	swait.ge @!p0 [sflag:s0], s1  }
0x3c: {  	s1 =	ssub.s32 @!p0 $0x0, s1;
	[sflag:s0] =	ssyncset.done @!p0 $0x0  }
0x3d: {  	[sflag:s0] =	ssyncadd.s32 @!p0 s1  }
0x3e: {  	[bflag:$0x3] =	sbarrier.arrive $0xFFFF  }
0x3f: {  	_ =	shalt  }

</sc_bundles>
